<compile_context>
chip_gen: v7x
topology: tpu7x:2x2x1
jax: 0.10.2.dev20260603
libtpu: 0.0.44.dev20260713+nightly
codegen_flags: <defaults>
</compile_context>

<pallas_src>
import functools

import jax
import jax.numpy as jnp
from jax import lax
from jax.experimental import pallas as pl
from jax.experimental.pallas import tpu as pltpu
from jax.experimental.pallas import tpu_sc as plsc

N_ATOMS = 100000
N_TYPES = 100
N_PROPS = 128
N_SYSTEMS = 1024

_NC = 2
_NS = 16
_NW = _NC * _NS

_S = 8
_A = _NW // _S
_R = N_SYSTEMS // _S
_TPAD = 128

_CHUNK = 25024
_LAST = N_ATOMS - (_A - 1) * _CHUNK


def _sc_histogram(packed):
    mesh = plsc.VectorSubcoreMesh(core_axis_name="c", subcore_axis_name="s")

    @functools.partial(
        pl.kernel,
        mesh=mesh,
        out_type=jax.ShapeDtypeStruct((_NW, _R, _TPAD), jnp.float32),
        scratch_types=[
            pltpu.VMEM((_CHUNK + 16,), jnp.int32),
            pltpu.VMEM((_R, _TPAD), jnp.float32),
        ],
        compiler_params=pltpu.CompilerParams(needs_layout_passes=False),
    )
    def hist_kernel(packed_hbm, out_hbm, pk_v, hist_v):
        wid = lax.axis_index("s") * _NC + lax.axis_index("c")
        shard = wid % _A
        lo = (wid // _A) * _R
        base = shard * _CHUNK
        is_last = shard == _A - 1
        n = jnp.where(is_last, _LAST, _CHUNK)

        @pl.when(jnp.logical_not(is_last))
        def _():
            pltpu.sync_copy(packed_hbm.at[pl.ds(base, _CHUNK)],
                            pk_v.at[pl.ds(0, _CHUNK)])

        @pl.when(is_last)
        def _():
            pltpu.sync_copy(packed_hbm.at[pl.ds(base, _LAST)],
                            pk_v.at[pl.ds(0, _LAST)])

        zeros = jnp.zeros((16,), jnp.float32)
        ones = jnp.ones((16,), jnp.float32)

        def zero_body(i, carry):
            for j in range(_TPAD // 16):
                hist_v[i, pl.ds(j * 16, 16)] = zeros
            return carry

        lax.fori_loop(0, _R, zero_body, 0)

        def lower_bound(bound):
            def body(_, ab):
                a, b = ab
                m = (a + b) // 2
                go_right = pk_v[pl.ds(m, 16)][0] < bound
                return (jnp.where(go_right, m + 1, a),
                        jnp.where(go_right, b, m))
            a, _b = lax.fori_loop(0, 15, body, (0, n))
            return a

        i_lo = jnp.minimum(lower_bound(lo * 128), n)
        i_hi = jnp.minimum(lower_bound((lo + _R) * 128), n)

        def atom_body(i, carry):
            p = pk_v[pl.ds(i * 16, 16)]
            t = jnp.bitwise_and(p, 127)
            s = jnp.right_shift(p, 7) - lo
            mask = jnp.logical_and(s >= 0, s < _R)
            plsc.addupdate_scatter(hist_v, [s, t], ones, mask=mask)
            return carry

        b_lo = jnp.maximum(i_lo // 16 - 1, 0)
        b_hi = jnp.minimum(i_hi // 16 + 1, n // 16)
        lax.fori_loop(b_lo, b_hi, atom_body, 0)

        pltpu.sync_copy(hist_v, out_hbm.at[wid])

    return hist_kernel(packed)


def _tc_body(counts_ref, tti_ref, w_ref, o_ref):
    acc = jnp.sum(counts_ref[...], axis=1).reshape(N_SYSTEMS, _TPAD)
    tti = tti_ref[...]
    onehot = (tti == lax.broadcasted_iota(jnp.int32, (_TPAD, _TPAD), 1)
              ).astype(jnp.float32)
    w_eff = jnp.dot(onehot, w_ref[...], preferred_element_type=jnp.float32,
                    precision=lax.Precision.HIGHEST)
    o_ref[...] = jnp.dot(acc, w_eff, preferred_element_type=jnp.float32,
                         precision=lax.Precision.HIGHEST)


def _tc_reduce_matmul(counts, tti_pad, w_pad):
    return pl.pallas_call(
        _tc_body,
        out_shape=jax.ShapeDtypeStruct((N_SYSTEMS, N_PROPS), jnp.float32),
    )(counts.reshape(_S, _A, _R, _TPAD), tti_pad, w_pad)


def kernel(atom_types, system_ids, type_to_index, weights):
    packed = (system_ids.astype(jnp.int32) * 128
              + atom_types.astype(jnp.int32))
    counts = _sc_histogram(packed)
    tti_pad = jnp.concatenate(
        [type_to_index.astype(jnp.int32),
         jnp.full((_TPAD - N_TYPES,), -1, jnp.int32)]).reshape(_TPAD, 1)
    w_pad = jnp.zeros((_TPAD, N_PROPS), jnp.float32).at[:N_TYPES].set(
        weights.astype(jnp.float32))
    return _tc_reduce_matmul(counts, tti_pad, w_pad)

# --- scband reference (transcript-rebuilt; emitter-appended) ---
"""Pipeline reference for scband-base-composition-model-4234837754240 (READ-ONLY COPY).

The authoritative reference and input builder live on the scoring server;
editing this copy changes nothing except your own understanding.
"""

import jax, jax.numpy as jnp
import numpy as np

N_ATOMS = 100000
N_TYPES = 100
N_PROPS = 128
N_SYSTEMS = 1024


def setup_inputs(seed: int = 0) -> dict:
    key = jax.random.key(seed)
    k1, k2, k3 = jax.random.split(key, 3)
    atom_types = jax.random.randint(k1, (N_ATOMS,), 0, N_TYPES, dtype=jnp.int64 if jax.config.jax_enable_x64 else jnp.int32)
    system_ids = jnp.sort(jax.random.randint(k2, (N_ATOMS,), 0, N_SYSTEMS, dtype=jnp.int64 if jax.config.jax_enable_x64 else jnp.int32))
    type_to_index = jnp.arange(N_TYPES)
    weights = jax.random.normal(k3, (N_TYPES, N_PROPS), dtype=jnp.float32)
    return {"atom_types": atom_types, "system_ids": system_ids, "type_to_index": type_to_index, "weights": weights}


def reference(atom_types, system_ids, type_to_index, weights):
    # BaseCompositionModel.forward for a per-structure invariant target:
    # 1) map raw atomic types to contiguous indices via the type_to_index buffer
    idx = jnp.take(type_to_index, atom_types)
    # 2) look up fitted composition weights for each atom (embedding gather)
    per_atom = jnp.take(weights, idx, axis=0)  # [N_atoms, n_properties]
    # 3) sum per-atom contributions within each system (composition baseline)
    out = jax.ops.segment_sum(per_atom, system_ids, num_segments=N_SYSTEMS)
    return out  # [n_systems, n_properties]

if __name__ == "__main__":
    import jax
    _d = setup_inputs()
    print(jax.jit(kernel)(*tuple(_d.values())))

</pallas_src>

<mosaic_0001>
#map = affine_map<(d0, d1) -> (0)>
#map1 = affine_map<(d0, d1) -> (0, 0, 0)>
module attributes {stable_mosaic.version = 14 : i64} {
  func.func @hist_kernel(%arg0: i32, %arg1: i32, %arg2: memref<100000xi32, #tpu.memory_space<hbm>>, %arg3: memref<32x128x128xf32, #tpu.memory_space<hbm>>, %arg4: memref<25040xi32, #tpu.memory_space<vmem>>, %arg5: memref<128x128xf32, #tpu.memory_space<vmem>>) attributes {dimension_semantics = [#tpu.dimension_semantics<core_parallel>, #tpu.dimension_semantics<subcore_parallel>], iteration_bounds = array<i64: 2, 16>, scalar_prefetch = 0 : i64, scratch_operands = 2 : i64, tpu.core_type = #tpu.core_type<sc_vector_subcore>, window_params = [{transform_indices = #map}, {transform_indices = #map1}]} {
    %mul3A = arith.constant 2 : i32
    %mul3A_0 = arith.muli %arg1, %mul3A : i32
    %add3A = arith.addi %mul3A_0, %arg0 : i32
    %jit3A = arith.constant 4 : i32
    %eq3A = arith.constant 0 : i32
    %eq3A_1 = arith.cmpi eq, %jit3A, %eq3A : i32
    %jit3A_2 = arith.constant 1 : i32
    %select_n3A = arith.select %eq3A_1, %jit3A_2, %jit3A : i32
    %rem3A = arith.remsi %add3A, %select_n3A : i32
    %ne3A = arith.constant 0 : i32
    %ne3A_3 = arith.cmpi ne, %rem3A, %ne3A : i32
    %lt3A = arith.constant 0 : i32
    %lt3A_4 = arith.cmpi slt, %rem3A, %lt3A : i32
    %lt3A_5 = arith.constant 0 : i32
    %lt3A_6 = arith.cmpi slt, %select_n3A, %lt3A_5 : i32
    %ne3A_7 = arith.xori %lt3A_4, %lt3A_6 : i1
    %and3A = arith.andi %ne3A_7, %ne3A_3 : i1
    %add3A_8 = arith.addi %rem3A, %select_n3A : i32
    %select_n3A_9 = arith.select %and3A, %add3A_8, %rem3A : i32
    %jit3A_10 = arith.constant 4 : i32
    %div3A = arith.divsi %add3A, %jit3A_10 : i32
    %sign3A = arith.constant 0 : i32
    %sign3A_11 = arith.cmpi sgt, %add3A, %sign3A : i32
    %sign3A_12 = arith.extui %sign3A_11 : i1 to i32
    %sign3A_13 = arith.constant 0 : i32
    %sign3A_14 = arith.cmpi slt, %add3A, %sign3A_13 : i32
    %sign3A_15 = arith.extui %sign3A_14 : i1 to i32
    %sign3A_16 = arith.subi %sign3A_12, %sign3A_15 : i32
    %sign3A_17 = arith.constant 0 : i32
    %sign3A_18 = arith.cmpi sgt, %jit3A_10, %sign3A_17 : i32
    %sign3A_19 = arith.extui %sign3A_18 : i1 to i32
    %sign3A_20 = arith.constant 0 : i32
    %sign3A_21 = arith.cmpi slt, %jit3A_10, %sign3A_20 : i32
    %sign3A_22 = arith.extui %sign3A_21 : i1 to i32
    %sign3A_23 = arith.subi %sign3A_19, %sign3A_22 : i32
    %ne3A_24 = arith.cmpi ne, %sign3A_16, %sign3A_23 : i32
    %rem3A_25 = arith.remsi %add3A, %jit3A_10 : i32
    %ne3A_26 = arith.constant 0 : i32
    %ne3A_27 = arith.cmpi ne, %rem3A_25, %ne3A_26 : i32
    %and3A_28 = arith.andi %ne3A_24, %ne3A_27 : i1
    %sub3A = arith.constant 1 : i32
    %sub3A_29 = arith.subi %div3A, %sub3A : i32
    %select_n3A_30 = arith.select %and3A_28, %sub3A_29, %div3A : i32
    %mul3A_31 = arith.constant 128 : i32
    %mul3A_32 = arith.muli %select_n3A_30, %mul3A_31 : i32
    %mul3A_33 = arith.constant 25024 : i32
    %mul3A_34 = arith.muli %select_n3A_9, %mul3A_33 : i32
    %eq3A_35 = arith.constant 3 : i32
    %eq3A_36 = arith.cmpi eq, %select_n3A_9, %eq3A_35 : i32
    %jit3A_37 = arith.constant 24928 : i32
    %jit3A_38 = arith.constant 25024 : i32
    %select_n3A_39 = arith.select %eq3A_36, %jit3A_37, %jit3A_38 : i32
    %not3A = arith.constant true
    %not3A_40 = arith.xori %eq3A_36, %not3A : i1
    %convert_element_type3A = arith.extui %not3A_40 : i1 to i32
    %cond3A = arith.constant 0 : i32
    %cond3A_41 = arith.cmpi ne, %convert_element_type3A, %cond3A : i32
    scf.if %cond3A_41 {
      "tpu.region"() ({
        %run_scoped3A = tpu.sem_alloc : memref<!tpu.dma_semaphore, #tpu.memory_space<semaphore_mem>>
        %dma_start3A = arith.constant 0 : i32
        %dma_start3A_160 = tpu.memref_slice %arg4[%dma_start3A] : memref<25040xi32, #tpu.memory_space<vmem>> -> memref<25024xi32, #tpu.memory_space<vmem>>
        %dma_start3A_161 = tpu.memref_slice %arg2[%mul3A_34] : memref<100000xi32, #tpu.memory_space<hbm>> -> memref<25024xi32, #tpu.memory_space<hbm>>
        %dma_start3A_162 = arith.constant 0 : i32
        %dma_start3A_163 = tpu.memref_slice %arg4[%dma_start3A_162] : memref<25040xi32, #tpu.memory_space<vmem>> -> memref<25024xi32, #tpu.memory_space<vmem>>
        %dma_start3A_164 = tpu.memref_slice %arg2[%mul3A_34] : memref<100000xi32, #tpu.memory_space<hbm>> -> memref<25024xi32, #tpu.memory_space<hbm>>
        tpu.enqueue_dma source(%dma_start3A_164 : memref<25024xi32, #tpu.memory_space<hbm>>) target(%dma_start3A_163 : memref<25024xi32, #tpu.memory_space<vmem>>) target_semaphore(%run_scoped3A : memref<!tpu.dma_semaphore, #tpu.memory_space<semaphore_mem>>)
        %dma_wait3A = arith.constant 0 : i32
        %dma_wait3A_165 = tpu.memref_slice %arg4[%dma_wait3A] : memref<25040xi32, #tpu.memory_space<vmem>> -> memref<25024xi32, #tpu.memory_space<vmem>>
        %dma_wait3A_166 = tpu.memref_slice %arg2[%mul3A_34] : memref<100000xi32, #tpu.memory_space<hbm>> -> memref<25024xi32, #tpu.memory_space<hbm>>
        %dma_wait3A_167 = arith.constant 0 : i32
        %dma_wait3A_168 = tpu.memref_slice %arg4[%dma_wait3A_167] : memref<25040xi32, #tpu.memory_space<vmem>> -> memref<25024xi32, #tpu.memory_space<vmem>>
        %dma_wait3A_169 = tpu.memref_slice %arg2[%mul3A_34] : memref<100000xi32, #tpu.memory_space<hbm>> -> memref<25024xi32, #tpu.memory_space<hbm>>
        tpu.wait_dma2 semaphore(%run_scoped3A : memref<!tpu.dma_semaphore, #tpu.memory_space<semaphore_mem>>) src(%dma_wait3A_169 : memref<25024xi32, #tpu.memory_space<hbm>>) dst(%dma_wait3A_168 : memref<25024xi32, #tpu.memory_space<vmem>>)
        tpu.yield
      }) : () -> ()
    } else {
    }
    %convert_element_type3A_42 = arith.extui %eq3A_36 : i1 to i32
    %cond3A_43 = arith.constant 0 : i32
    %cond3A_44 = arith.cmpi ne, %convert_element_type3A_42, %cond3A_43 : i32
    scf.if %cond3A_44 {
      "tpu.region"() ({
        %run_scoped3A = tpu.sem_alloc : memref<!tpu.dma_semaphore, #tpu.memory_space<semaphore_mem>>
        %dma_start3A = arith.constant 0 : i32
        %dma_start3A_160 = tpu.memref_slice %arg4[%dma_start3A] : memref<25040xi32, #tpu.memory_space<vmem>> -> memref<24928xi32, #tpu.memory_space<vmem>>
        %dma_start3A_161 = tpu.memref_slice %arg2[%mul3A_34] : memref<100000xi32, #tpu.memory_space<hbm>> -> memref<24928xi32, #tpu.memory_space<hbm>>
        %dma_start3A_162 = arith.constant 0 : i32
        %dma_start3A_163 = tpu.memref_slice %arg4[%dma_start3A_162] : memref<25040xi32, #tpu.memory_space<vmem>> -> memref<24928xi32, #tpu.memory_space<vmem>>
        %dma_start3A_164 = tpu.memref_slice %arg2[%mul3A_34] : memref<100000xi32, #tpu.memory_space<hbm>> -> memref<24928xi32, #tpu.memory_space<hbm>>
        tpu.enqueue_dma source(%dma_start3A_164 : memref<24928xi32, #tpu.memory_space<hbm>>) target(%dma_start3A_163 : memref<24928xi32, #tpu.memory_space<vmem>>) target_semaphore(%run_scoped3A : memref<!tpu.dma_semaphore, #tpu.memory_space<semaphore_mem>>)
        %dma_wait3A = arith.constant 0 : i32
        %dma_wait3A_165 = tpu.memref_slice %arg4[%dma_wait3A] : memref<25040xi32, #tpu.memory_space<vmem>> -> memref<24928xi32, #tpu.memory_space<vmem>>
        %dma_wait3A_166 = tpu.memref_slice %arg2[%mul3A_34] : memref<100000xi32, #tpu.memory_space<hbm>> -> memref<24928xi32, #tpu.memory_space<hbm>>
        %dma_wait3A_167 = arith.constant 0 : i32
        %dma_wait3A_168 = tpu.memref_slice %arg4[%dma_wait3A_167] : memref<25040xi32, #tpu.memory_space<vmem>> -> memref<24928xi32, #tpu.memory_space<vmem>>
        %dma_wait3A_169 = tpu.memref_slice %arg2[%mul3A_34] : memref<100000xi32, #tpu.memory_space<hbm>> -> memref<24928xi32, #tpu.memory_space<hbm>>
        tpu.wait_dma2 semaphore(%run_scoped3A : memref<!tpu.dma_semaphore, #tpu.memory_space<semaphore_mem>>) src(%dma_wait3A_169 : memref<24928xi32, #tpu.memory_space<hbm>>) dst(%dma_wait3A_168 : memref<24928xi32, #tpu.memory_space<vmem>>)
        tpu.yield
      }) : () -> ()
    } else {
    }
    %broadcast_in_dim3A = arith.constant 0.000000e+00 : f32
    %broadcast_in_dim3A_45 = vector.broadcast %broadcast_in_dim3A : f32 to vector<16xf32>
    %broadcast_in_dim3A_46 = arith.constant 1.000000e+00 : f32
    %broadcast_in_dim3A_47 = vector.broadcast %broadcast_in_dim3A_46 : f32 to vector<16xf32>
    %scan3A = arith.constant 0 : i32
    %scan3A_48 = arith.constant 0 : i32
    %scan3A_49 = arith.constant 128 : i32
    %scan3A_50 = arith.addi %scan3A_48, %scan3A_49 : i32
    %scan3A_51 = arith.constant 1 : i32
    scf.for %scan3A_160 = %scan3A_48 to %scan3A_50 step %scan3A_51  : i32 {
      %swap3A = arith.index_cast %scan3A_160 : i32 to index
      %swap3A_161 = arith.constant 0 : index
      %swap3A_162 = tpu.vector_load %arg5[%swap3A, %swap3A_161] {strides = array<i32>} : memref<128x128xf32, #tpu.memory_space<vmem>>, vector<16xf32>,
      tpu.vector_store %arg5[%swap3A, %swap3A_161], %broadcast_in_dim3A_45 {strides = array<i32>} : memref<128x128xf32, #tpu.memory_space<vmem>>, vector<16xf32>,
      %swap3A_163 = arith.index_cast %scan3A_160 : i32 to index
      %swap3A_164 = arith.constant 16 : index
      %swap3A_165 = tpu.vector_load %arg5[%swap3A_163, %swap3A_164] {strides = array<i32>} : memref<128x128xf32, #tpu.memory_space<vmem>>, vector<16xf32>,
      tpu.vector_store %arg5[%swap3A_163, %swap3A_164], %broadcast_in_dim3A_45 {strides = array<i32>} : memref<128x128xf32, #tpu.memory_space<vmem>>, vector<16xf32>,
      %swap3A_166 = arith.index_cast %scan3A_160 : i32 to index
      %swap3A_167 = arith.constant 32 : index
      %swap3A_168 = tpu.vector_load %arg5[%swap3A_166, %swap3A_167] {strides = array<i32>} : memref<128x128xf32, #tpu.memory_space<vmem>>, vector<16xf32>,
      tpu.vector_store %arg5[%swap3A_166, %swap3A_167], %broadcast_in_dim3A_45 {strides = array<i32>} : memref<128x128xf32, #tpu.memory_space<vmem>>, vector<16xf32>,
      %swap3A_169 = arith.index_cast %scan3A_160 : i32 to index
      %swap3A_170 = arith.constant 48 : index
      %swap3A_171 = tpu.vector_load %arg5[%swap3A_169, %swap3A_170] {strides = array<i32>} : memref<128x128xf32, #tpu.memory_space<vmem>>, vector<16xf32>,
      tpu.vector_store %arg5[%swap3A_169, %swap3A_170], %broadcast_in_dim3A_45 {strides = array<i32>} : memref<128x128xf32, #tpu.memory_space<vmem>>, vector<16xf32>,
      %swap3A_172 = arith.index_cast %scan3A_160 : i32 to index
      %swap3A_173 = arith.constant 64 : index
      %swap3A_174 = tpu.vector_load %arg5[%swap3A_172, %swap3A_173] {strides = array<i32>} : memref<128x128xf32, #tpu.memory_space<vmem>>, vector<16xf32>,
      tpu.vector_store %arg5[%swap3A_172, %swap3A_173], %broadcast_in_dim3A_45 {strides = array<i32>} : memref<128x128xf32, #tpu.memory_space<vmem>>, vector<16xf32>,
      %swap3A_175 = arith.index_cast %scan3A_160 : i32 to index
      %swap3A_176 = arith.constant 80 : index
      %swap3A_177 = tpu.vector_load %arg5[%swap3A_175, %swap3A_176] {strides = array<i32>} : memref<128x128xf32, #tpu.memory_space<vmem>>, vector<16xf32>,
      tpu.vector_store %arg5[%swap3A_175, %swap3A_176], %broadcast_in_dim3A_45 {strides = array<i32>} : memref<128x128xf32, #tpu.memory_space<vmem>>, vector<16xf32>,
      %swap3A_178 = arith.index_cast %scan3A_160 : i32 to index
      %swap3A_179 = arith.constant 96 : index
      %swap3A_180 = tpu.vector_load %arg5[%swap3A_178, %swap3A_179] {strides = array<i32>} : memref<128x128xf32, #tpu.memory_space<vmem>>, vector<16xf32>,
      tpu.vector_store %arg5[%swap3A_178, %swap3A_179], %broadcast_in_dim3A_45 {strides = array<i32>} : memref<128x128xf32, #tpu.memory_space<vmem>>, vector<16xf32>,
      %swap3A_181 = arith.index_cast %scan3A_160 : i32 to index
      %swap3A_182 = arith.constant 112 : index
      %swap3A_183 = tpu.vector_load %arg5[%swap3A_181, %swap3A_182] {strides = array<i32>} : memref<128x128xf32, #tpu.memory_space<vmem>>, vector<16xf32>,
      tpu.vector_store %arg5[%swap3A_181, %swap3A_182], %broadcast_in_dim3A_45 {strides = array<i32>} : memref<128x128xf32, #tpu.memory_space<vmem>>, vector<16xf32>,
    }
    %scan3A_52 = arith.constant 128 : i32
    %mul3A_53 = arith.constant 128 : i32
    %mul3A_54 = arith.muli %mul3A_32, %mul3A_53 : i32
    %scan3A_55 = arith.constant 0 : i32
    %scan3A_56 = arith.constant 0 : i32
    %scan3A_57 = arith.constant 15 : i32
    %scan3A_58 = arith.addi %scan3A_56, %scan3A_57 : i32
    %scan3A_59 = arith.constant 1 : i32
    %scan3A_60:2 = scf.for %scan3A_160 = %scan3A_56 to %scan3A_58 step %scan3A_59 iter_args(%scan3A_161 = %scan3A_55, %scan3A_162 = %select_n3A_39) -> (i32, i32)  : i32 {
      %add3A_163 = arith.addi %scan3A_161, %scan3A_162 : i32
      %jit3A_164 = arith.constant 2 : i32
      %div3A_165 = arith.divsi %add3A_163, %jit3A_164 : i32
      %sign3A_166 = arith.constant 0 : i32
      %sign3A_167 = arith.cmpi sgt, %add3A_163, %sign3A_166 : i32
      %sign3A_168 = arith.extui %sign3A_167 : i1 to i32
      %sign3A_169 = arith.constant 0 : i32
      %sign3A_170 = arith.cmpi slt, %add3A_163, %sign3A_169 : i32
      %sign3A_171 = arith.extui %sign3A_170 : i1 to i32
      %sign3A_172 = arith.subi %sign3A_168, %sign3A_171 : i32
      %sign3A_173 = arith.constant 0 : i32
      %sign3A_174 = arith.cmpi sgt, %jit3A_164, %sign3A_173 : i32
      %sign3A_175 = arith.extui %sign3A_174 : i1 to i32
      %sign3A_176 = arith.constant 0 : i32
      %sign3A_177 = arith.cmpi slt, %jit3A_164, %sign3A_176 : i32
      %sign3A_178 = arith.extui %sign3A_177 : i1 to i32
      %sign3A_179 = arith.subi %sign3A_175, %sign3A_178 : i32
      %ne3A_180 = arith.cmpi ne, %sign3A_172, %sign3A_179 : i32
      %rem3A_181 = arith.remsi %add3A_163, %jit3A_164 : i32
      %ne3A_182 = arith.constant 0 : i32
      %ne3A_183 = arith.cmpi ne, %rem3A_181, %ne3A_182 : i32
      %and3A_184 = arith.andi %ne3A_180, %ne3A_183 : i1
      %sub3A_185 = arith.constant 1 : i32
      %sub3A_186 = arith.subi %div3A_165, %sub3A_185 : i32
      %select_n3A_187 = arith.select %and3A_184, %sub3A_186, %div3A_165 : i32
      %get3A = arith.index_cast %select_n3A_187 : i32 to index
      %get3A_188 = tpu.vector_load %arg4[%get3A] {strides = array<i32>} : memref<25040xi32, #tpu.memory_space<vmem>>, vector<16xi32>,
      %slice3A = vector.extract_strided_slice %get3A_188 {offsets = [0], sizes = [1], strides = [1]} : vector<16xi32> to vector<1xi32>
      %squeeze3A = vector.extract %slice3A[0] : i32 from vector<1xi32>
      %lt3A_189 = arith.cmpi slt, %squeeze3A, %mul3A_54 : i32
      %add3A_190 = arith.constant 1 : i32
      %add3A_191 = arith.addi %select_n3A_187, %add3A_190 : i32
      %select_n3A_192 = arith.select %lt3A_189, %add3A_191, %scan3A_161 : i32
      %select_n3A_193 = arith.select %lt3A_189, %scan3A_162, %select_n3A_187 : i32
      scf.yield %select_n3A_192, %select_n3A_193 : i32, i32
    }
    %scan3A_61 = arith.constant 15 : i32
    %min3A = arith.minsi %scan3A_60#0, %select_n3A_39 : i32
    %add3A_62 = arith.constant 128 : i32
    %add3A_63 = arith.addi %mul3A_32, %add3A_62 : i32
    %mul3A_64 = arith.constant 128 : i32
    %mul3A_65 = arith.muli %add3A_63, %mul3A_64 : i32
    %scan3A_66 = arith.constant 0 : i32
    %scan3A_67 = arith.constant 0 : i32
    %scan3A_68 = arith.constant 15 : i32
    %scan3A_69 = arith.addi %scan3A_67, %scan3A_68 : i32
    %scan3A_70 = arith.constant 1 : i32
    %scan3A_71:2 = scf.for %scan3A_160 = %scan3A_67 to %scan3A_69 step %scan3A_70 iter_args(%scan3A_161 = %scan3A_66, %scan3A_162 = %select_n3A_39) -> (i32, i32)  : i32 {
      %add3A_163 = arith.addi %scan3A_161, %scan3A_162 : i32
      %jit3A_164 = arith.constant 2 : i32
      %div3A_165 = arith.divsi %add3A_163, %jit3A_164 : i32
      %sign3A_166 = arith.constant 0 : i32
      %sign3A_167 = arith.cmpi sgt, %add3A_163, %sign3A_166 : i32
      %sign3A_168 = arith.extui %sign3A_167 : i1 to i32
      %sign3A_169 = arith.constant 0 : i32
      %sign3A_170 = arith.cmpi slt, %add3A_163, %sign3A_169 : i32
      %sign3A_171 = arith.extui %sign3A_170 : i1 to i32
      %sign3A_172 = arith.subi %sign3A_168, %sign3A_171 : i32
      %sign3A_173 = arith.constant 0 : i32
      %sign3A_174 = arith.cmpi sgt, %jit3A_164, %sign3A_173 : i32
      %sign3A_175 = arith.extui %sign3A_174 : i1 to i32
      %sign3A_176 = arith.constant 0 : i32
      %sign3A_177 = arith.cmpi slt, %jit3A_164, %sign3A_176 : i32
      %sign3A_178 = arith.extui %sign3A_177 : i1 to i32
      %sign3A_179 = arith.subi %sign3A_175, %sign3A_178 : i32
      %ne3A_180 = arith.cmpi ne, %sign3A_172, %sign3A_179 : i32
      %rem3A_181 = arith.remsi %add3A_163, %jit3A_164 : i32
      %ne3A_182 = arith.constant 0 : i32
      %ne3A_183 = arith.cmpi ne, %rem3A_181, %ne3A_182 : i32
      %and3A_184 = arith.andi %ne3A_180, %ne3A_183 : i1
      %sub3A_185 = arith.constant 1 : i32
      %sub3A_186 = arith.subi %div3A_165, %sub3A_185 : i32
      %select_n3A_187 = arith.select %and3A_184, %sub3A_186, %div3A_165 : i32
      %get3A = arith.index_cast %select_n3A_187 : i32 to index
      %get3A_188 = tpu.vector_load %arg4[%get3A] {strides = array<i32>} : memref<25040xi32, #tpu.memory_space<vmem>>, vector<16xi32>,
      %slice3A = vector.extract_strided_slice %get3A_188 {offsets = [0], sizes = [1], strides = [1]} : vector<16xi32> to vector<1xi32>
      %squeeze3A = vector.extract %slice3A[0] : i32 from vector<1xi32>
      %lt3A_189 = arith.cmpi slt, %squeeze3A, %mul3A_65 : i32
      %add3A_190 = arith.constant 1 : i32
      %add3A_191 = arith.addi %select_n3A_187, %add3A_190 : i32
      %select_n3A_192 = arith.select %lt3A_189, %add3A_191, %scan3A_161 : i32
      %select_n3A_193 = arith.select %lt3A_189, %scan3A_162, %select_n3A_187 : i32
      scf.yield %select_n3A_192, %select_n3A_193 : i32, i32
    }
    %scan3A_72 = arith.constant 15 : i32
    %min3A_73 = arith.minsi %scan3A_71#0, %select_n3A_39 : i32
    %jit3A_74 = arith.constant 16 : i32
    %div3A_75 = arith.divsi %min3A, %jit3A_74 : i32
    %sign3A_76 = arith.constant 0 : i32
    %sign3A_77 = arith.cmpi sgt, %min3A, %sign3A_76 : i32
    %sign3A_78 = arith.extui %sign3A_77 : i1 to i32
    %sign3A_79 = arith.constant 0 : i32
    %sign3A_80 = arith.cmpi slt, %min3A, %sign3A_79 : i32
    %sign3A_81 = arith.extui %sign3A_80 : i1 to i32
    %sign3A_82 = arith.subi %sign3A_78, %sign3A_81 : i32
    %sign3A_83 = arith.constant 0 : i32
    %sign3A_84 = arith.cmpi sgt, %jit3A_74, %sign3A_83 : i32
    %sign3A_85 = arith.extui %sign3A_84 : i1 to i32
    %sign3A_86 = arith.constant 0 : i32
    %sign3A_87 = arith.cmpi slt, %jit3A_74, %sign3A_86 : i32
    %sign3A_88 = arith.extui %sign3A_87 : i1 to i32
    %sign3A_89 = arith.subi %sign3A_85, %sign3A_88 : i32
    %ne3A_90 = arith.cmpi ne, %sign3A_82, %sign3A_89 : i32
    %rem3A_91 = arith.remsi %min3A, %jit3A_74 : i32
    %ne3A_92 = arith.constant 0 : i32
    %ne3A_93 = arith.cmpi ne, %rem3A_91, %ne3A_92 : i32
    %and3A_94 = arith.andi %ne3A_90, %ne3A_93 : i1
    %sub3A_95 = arith.constant 1 : i32
    %sub3A_96 = arith.subi %div3A_75, %sub3A_95 : i32
    %select_n3A_97 = arith.select %and3A_94, %sub3A_96, %div3A_75 : i32
    %sub3A_98 = arith.constant 1 : i32
    %sub3A_99 = arith.subi %select_n3A_97, %sub3A_98 : i32
    %max3A = arith.constant 0 : i32
    %max3A_100 = arith.maxsi %sub3A_99, %max3A : i32
    %jit3A_101 = arith.constant 16 : i32
    %div3A_102 = arith.divsi %min3A_73, %jit3A_101 : i32
    %sign3A_103 = arith.constant 0 : i32
    %sign3A_104 = arith.cmpi sgt, %min3A_73, %sign3A_103 : i32
    %sign3A_105 = arith.extui %sign3A_104 : i1 to i32
    %sign3A_106 = arith.constant 0 : i32
    %sign3A_107 = arith.cmpi slt, %min3A_73, %sign3A_106 : i32
    %sign3A_108 = arith.extui %sign3A_107 : i1 to i32
    %sign3A_109 = arith.subi %sign3A_105, %sign3A_108 : i32
    %sign3A_110 = arith.constant 0 : i32
    %sign3A_111 = arith.cmpi sgt, %jit3A_101, %sign3A_110 : i32
    %sign3A_112 = arith.extui %sign3A_111 : i1 to i32
    %sign3A_113 = arith.constant 0 : i32
    %sign3A_114 = arith.cmpi slt, %jit3A_101, %sign3A_113 : i32
    %sign3A_115 = arith.extui %sign3A_114 : i1 to i32
    %sign3A_116 = arith.subi %sign3A_112, %sign3A_115 : i32
    %ne3A_117 = arith.cmpi ne, %sign3A_109, %sign3A_116 : i32
    %rem3A_118 = arith.remsi %min3A_73, %jit3A_101 : i32
    %ne3A_119 = arith.constant 0 : i32
    %ne3A_120 = arith.cmpi ne, %rem3A_118, %ne3A_119 : i32
    %and3A_121 = arith.andi %ne3A_117, %ne3A_120 : i1
    %sub3A_122 = arith.constant 1 : i32
    %sub3A_123 = arith.subi %div3A_102, %sub3A_122 : i32
    %select_n3A_124 = arith.select %and3A_121, %sub3A_123, %div3A_102 : i32
    %add3A_125 = arith.constant 1 : i32
    %add3A_126 = arith.addi %select_n3A_124, %add3A_125 : i32
    %jit3A_127 = arith.constant 16 : i32
    %div3A_128 = arith.divsi %select_n3A_39, %jit3A_127 : i32
    %sign3A_129 = arith.constant 0 : i32
    %sign3A_130 = arith.cmpi sgt, %select_n3A_39, %sign3A_129 : i32
    %sign3A_131 = arith.extui %sign3A_130 : i1 to i32
    %sign3A_132 = arith.constant 0 : i32
    %sign3A_133 = arith.cmpi slt, %select_n3A_39, %sign3A_132 : i32
    %sign3A_134 = arith.extui %sign3A_133 : i1 to i32
    %sign3A_135 = arith.subi %sign3A_131, %sign3A_134 : i32
    %sign3A_136 = arith.constant 0 : i32
    %sign3A_137 = arith.cmpi sgt, %jit3A_127, %sign3A_136 : i32
    %sign3A_138 = arith.extui %sign3A_137 : i1 to i32
    %sign3A_139 = arith.constant 0 : i32
    %sign3A_140 = arith.cmpi slt, %jit3A_127, %sign3A_139 : i32
    %sign3A_141 = arith.extui %sign3A_140 : i1 to i32
    %sign3A_142 = arith.subi %sign3A_138, %sign3A_141 : i32
    %ne3A_143 = arith.cmpi ne, %sign3A_135, %sign3A_142 : i32
    %rem3A_144 = arith.remsi %select_n3A_39, %jit3A_127 : i32
    %ne3A_145 = arith.constant 0 : i32
    %ne3A_146 = arith.cmpi ne, %rem3A_144, %ne3A_145 : i32
    %and3A_147 = arith.andi %ne3A_143, %ne3A_146 : i1
    %sub3A_148 = arith.constant 1 : i32
    %sub3A_149 = arith.subi %div3A_128, %sub3A_148 : i32
    %select_n3A_150 = arith.select %and3A_147, %sub3A_149, %div3A_128 : i32
    %min3A_151 = arith.minsi %add3A_126, %select_n3A_150 : i32
    %while3A = arith.constant 0 : i32
    %while3A_152 = arith.subi %min3A_151, %max3A_100 : i32
    %while3A_153 = arith.addi %max3A_100, %while3A_152 : i32
    %while3A_154 = arith.constant 1 : i32
    %while3A_155 = arith.divsi %while3A_152, %while3A_154 : i32
    %while3A_156 = arith.muli %while3A_155, %while3A_154 : i32
    %while3A_157 = arith.addi %max3A_100, %while3A_156 : i32
    %while3A_158 = arith.constant 1 : i32
    scf.for %while3A_160 = %max3A_100 to %while3A_157 step %while3A_158  : i32 {
      %mul3A_161 = arith.constant 16 : i32
      %mul3A_162 = arith.muli %while3A_160, %mul3A_161 : i32
      %get3A = arith.index_cast %mul3A_162 : i32 to index
      %get3A_163 = tpu.vector_load %arg4[%get3A] {strides = array<i32>} : memref<25040xi32, #tpu.memory_space<vmem>>, vector<16xi32>,
      %and3A_164 = arith.constant 127 : i32
      %and3A_165 = vector.broadcast %and3A_164 : i32 to vector<16xi32>
      %and3A_166 = arith.andi %get3A_163, %and3A_165 : vector<16xi32>
      %shift_right_arithmetic3A = arith.constant 7 : i32
      %shift_right_arithmetic3A_167 = vector.broadcast %shift_right_arithmetic3A : i32 to vector<16xi32>
      %shift_right_arithmetic3A_168 = arith.shrsi %get3A_163, %shift_right_arithmetic3A_167 : vector<16xi32>
      %sub3A_169 = vector.broadcast %mul3A_32 : i32 to vector<16xi32>
      %sub3A_170 = arith.subi %shift_right_arithmetic3A_168, %sub3A_169 : vector<16xi32>
      %ge3A = arith.constant 0 : i32
      %ge3A_171 = vector.broadcast %ge3A : i32 to vector<16xi32>
      %ge3A_172 = arith.cmpi sge, %sub3A_170, %ge3A_171 : vector<16xi32>
      %lt3A_173 = arith.constant 128 : i32
      %lt3A_174 = vector.broadcast %lt3A_173 : i32 to vector<16xi32>
      %lt3A_175 = arith.cmpi slt, %sub3A_170, %lt3A_174 : vector<16xi32>
      %and3A_176 = arith.andi %ge3A_172, %lt3A_175 : vector<16xi1>
      tpu.vector_store_idx %arg5[%sub3A_170, %and3A_166], %broadcast_in_dim3A_47 masked %and3A_176 {add = true} : memref<128x128xf32, #tpu.memory_space<vmem>>[vector<16xi32>, vector<16xi32>], vector<16xf32>, vector<16xi1>
    }
    %while3A_159 = arith.constant 1 : i32
    scf.for %while3A_160 = %while3A_157 to %while3A_153 step %while3A_159  : i32 {
      %mul3A_161 = arith.constant 16 : i32
      %mul3A_162 = arith.muli %while3A_160, %mul3A_161 : i32
      %get3A = arith.index_cast %mul3A_162 : i32 to index
      %get3A_163 = tpu.vector_load %arg4[%get3A] {strides = array<i32>} : memref<25040xi32, #tpu.memory_space<vmem>>, vector<16xi32>,
      %and3A_164 = arith.constant 127 : i32
      %and3A_165 = vector.broadcast %and3A_164 : i32 to vector<16xi32>
      %and3A_166 = arith.andi %get3A_163, %and3A_165 : vector<16xi32>
      %shift_right_arithmetic3A = arith.constant 7 : i32
      %shift_right_arithmetic3A_167 = vector.broadcast %shift_right_arithmetic3A : i32 to vector<16xi32>
      %shift_right_arithmetic3A_168 = arith.shrsi %get3A_163, %shift_right_arithmetic3A_167 : vector<16xi32>
      %sub3A_169 = vector.broadcast %mul3A_32 : i32 to vector<16xi32>
      %sub3A_170 = arith.subi %shift_right_arithmetic3A_168, %sub3A_169 : vector<16xi32>
      %ge3A = arith.constant 0 : i32
      %ge3A_171 = vector.broadcast %ge3A : i32 to vector<16xi32>
      %ge3A_172 = arith.cmpi sge, %sub3A_170, %ge3A_171 : vector<16xi32>
      %lt3A_173 = arith.constant 128 : i32
      %lt3A_174 = vector.broadcast %lt3A_173 : i32 to vector<16xi32>
      %lt3A_175 = arith.cmpi slt, %sub3A_170, %lt3A_174 : vector<16xi32>
      %and3A_176 = arith.andi %ge3A_172, %lt3A_175 : vector<16xi1>
      tpu.vector_store_idx %arg5[%sub3A_170, %and3A_166], %broadcast_in_dim3A_47 masked %and3A_176 {add = true} : memref<128x128xf32, #tpu.memory_space<vmem>>[vector<16xi32>, vector<16xi32>], vector<16xf32>, vector<16xi1>
    }
    "tpu.region"() ({
      %run_scoped3A = tpu.sem_alloc : memref<!tpu.dma_semaphore, #tpu.memory_space<semaphore_mem>>
      %dma_start3A = arith.constant 0 : i32
      %dma_start3A_160 = arith.constant 0 : i32
      %dma_start3A_161 = tpu.memref_slice %arg3[%add3A, %dma_start3A, %dma_start3A_160] : memref<32x128x128xf32, #tpu.memory_space<hbm>> -> memref<1x128x128xf32, #tpu.memory_space<hbm>>
      %dma_start3A_162 = tpu.memref_squeeze %dma_start3A_161 : memref<1x128x128xf32, #tpu.memory_space<hbm>> -> memref<128x128xf32, #tpu.memory_space<hbm>>
      %dma_start3A_163 = arith.constant 0 : i32
      %dma_start3A_164 = arith.constant 0 : i32
      %dma_start3A_165 = tpu.memref_slice %arg3[%add3A, %dma_start3A_163, %dma_start3A_164] : memref<32x128x128xf32, #tpu.memory_space<hbm>> -> memref<1x128x128xf32, #tpu.memory_space<hbm>>
      %dma_start3A_166 = tpu.memref_squeeze %dma_start3A_165 : memref<1x128x128xf32, #tpu.memory_space<hbm>> -> memref<128x128xf32, #tpu.memory_space<hbm>>
      tpu.enqueue_dma source(%arg5 : memref<128x128xf32, #tpu.memory_space<vmem>>) target(%dma_start3A_166 : memref<128x128xf32, #tpu.memory_space<hbm>>) target_semaphore(%run_scoped3A : memref<!tpu.dma_semaphore, #tpu.memory_space<semaphore_mem>>)
      %dma_wait3A = arith.constant 0 : i32
      %dma_wait3A_167 = arith.constant 0 : i32
      %dma_wait3A_168 = tpu.memref_slice %arg3[%add3A, %dma_wait3A, %dma_wait3A_167] : memref<32x128x128xf32, #tpu.memory_space<hbm>> -> memref<1x128x128xf32, #tpu.memory_space<hbm>>
      %dma_wait3A_169 = tpu.memref_squeeze %dma_wait3A_168 : memref<1x128x128xf32, #tpu.memory_space<hbm>> -> memref<128x128xf32, #tpu.memory_space<hbm>>
      %dma_wait3A_170 = arith.constant 0 : i32
      %dma_wait3A_171 = arith.constant 0 : i32
      %dma_wait3A_172 = tpu.memref_slice %arg3[%add3A, %dma_wait3A_170, %dma_wait3A_171] : memref<32x128x128xf32, #tpu.memory_space<hbm>> -> memref<1x128x128xf32, #tpu.memory_space<hbm>>
      %dma_wait3A_173 = tpu.memref_squeeze %dma_wait3A_172 : memref<1x128x128xf32, #tpu.memory_space<hbm>> -> memref<128x128xf32, #tpu.memory_space<hbm>>
      tpu.wait_dma2 semaphore(%run_scoped3A : memref<!tpu.dma_semaphore, #tpu.memory_space<semaphore_mem>>) src(%arg5 : memref<128x128xf32, #tpu.memory_space<vmem>>) dst(%dma_wait3A_173 : memref<128x128xf32, #tpu.memory_space<hbm>>)
      tpu.yield
    }) : () -> ()
    return
  }
}

module attributes {stable_mosaic.version = 14 : i64} {
  func.func @_tc_body(%arg0: memref<8x4x128x128xf32, #tpu.memory_space<vmem>>, %arg1: memref<128x1xi32, #tpu.memory_space<vmem>>, %arg2: memref<128x128xf32, #tpu.memory_space<vmem>>, %arg3: memref<1024x128xf32, #tpu.memory_space<vmem>>) attributes {dimension_semantics = [], scalar_prefetch = 0 : i64, scratch_operands = 0 : i64, tpu.core_type = #tpu.core_type<tc>} {
    %get3A = arith.constant 0 : index
    %get3A_0 = arith.constant 0 : index
    %get3A_1 = arith.constant 0 : index
    %get3A_2 = arith.constant 0 : index
    %get3A_3 = vector.load %arg0[%get3A, %get3A_0, %get3A_1, %get3A_2] : memref<8x4x128x128xf32, #tpu.memory_space<vmem>>, vector<8x4x128x128xf32>
    %reduce_sum3A = arith.constant dense<0.000000e+00> : vector<8x128x128xf32>
    %reduce_sum3A_4 = vector.multi_reduction <add>, %get3A_3, %reduce_sum3A [1] : vector<8x4x128x128xf32> to vector<8x128x128xf32>
    %reshape3A = vector.shape_cast %reduce_sum3A_4 : vector<8x128x128xf32> to vector<1024x128xf32>
    %get3A_5 = arith.constant 0 : index
    %get3A_6 = arith.constant 0 : index
    %get3A_7 = vector.load %arg1[%get3A_5, %get3A_6] : memref<128x1xi32, #tpu.memory_space<vmem>>, vector<128x1xi32>
    %iota3A = tpu.iota {dimensions = array<i32: 1>} : vector<128x128xi32>
    %eq3A = vector.broadcast %get3A_7 : vector<128x1xi32> to vector<128x128xi32>
    %eq3A_8 = arith.cmpi eq, %eq3A, %iota3A : vector<128x128xi32>
    %convert_element_type3A = arith.extui %eq3A_8 : vector<128x128xi1> to vector<128x128xi32>
    %convert_element_type3A_9 = arith.sitofp %convert_element_type3A : vector<128x128xi32> to vector<128x128xf32>
    %get3A_10 = arith.constant 0 : index
    %get3A_11 = arith.constant 0 : index
    %get3A_12 = vector.load %arg2[%get3A_10, %get3A_11] : memref<128x128xf32, #tpu.memory_space<vmem>>, vector<128x128xf32>
    %dot_general3A = arith.constant dense<0.000000e+00> : vector<128x128xf32>
    %dot_general3A_13 = tpu.matmul %convert_element_type3A_9, %get3A_12, %dot_general3A {dimension_numbers = #tpu.dot_dimension_numbers<[1], [0], [0], [1], [0, 0, 1, 1], [], []>, precision = #tpu.contract_precision<fp32>, transpose_lhs_hint = false} : vector<128x128xf32>, vector<128x128xf32>, vector<128x128xf32> -> vector<128x128xf32>
    %dot_general3A_14 = arith.constant dense<0.000000e+00> : vector<1024x128xf32>
    %dot_general3A_15 = tpu.matmul %reshape3A, %dot_general3A_13, %dot_general3A_14 {dimension_numbers = #tpu.dot_dimension_numbers<[1], [0], [0], [1], [0, 0, 1, 1], [], []>, precision = #tpu.contract_precision<fp32>, transpose_lhs_hint = false} : vector<1024x128xf32>, vector<128x128xf32>, vector<1024x128xf32> -> vector<1024x128xf32>
    %swap3A = arith.constant 0 : index
    %swap3A_16 = arith.constant 0 : index
    %swap3A_17 = vector.load %arg3[%swap3A, %swap3A_16] : memref<1024x128xf32, #tpu.memory_space<vmem>>, vector<1024x128xf32>
    tpu.vector_store %arg3[%swap3A, %swap3A_16], %dot_general3A_15 {strides = array<i32>} : memref<1024x128xf32, #tpu.memory_space<vmem>>, vector<1024x128xf32>,
    return
  }
}

</mosaic_0001>

<sc_bundles>
// kernel: kernel.4.cloned.1.call-start
scs
__scs_entry_jumppad:
0x0: {  	(pc) =	sbr.rel $0x88, $3  }
0x1: {  	(tag) =	ssettag $0x0;
	lr =	simm.s32 $0x1  }
0x2: {  	[smem:$0x3F9D] =	sst lr;
	_ =	strace $0xD0000000  }
0x3: {  	_ = 	snop  }
0x4: {  	_ = 	snop  }
0x5: {  	_ = 	snop  }
0x6: {  	_ = 	snop  }
0x7: {  	_ = 	snop  }
__scs_overlays_trampoline_lowered:
0x8: {  	[smem:$0x3FAC] =	sst s0  }
0x9: {  	[smem:$0x3FAD] =	sst s1  }
0xa: {  	[smem:$0x3FAE] =	sst s2  }
0xb: {  	[smem:$0x3FAF] =	sst s3  }
0xc: {  	[smem:$0x3FB0] =	sst s4  }
0xd: {  	[smem:$0x3FB1] =	sst s5  }
0xe: {  	[smem:$0x3FB2] =	sst s6  }
0xf: {  	[smem:$0x3FB3] =	sst s7  }
0x10: {  	[smem:$0x3FB4] =	sst s8  }
0x11: {  	[smem:$0x3FB5] =	sst s9;
	s0 =	simm.s32 @!p0 $0x0  }
0x12: {  	s1 =	sld [smem:$0x3F9B];
	s0 =	simm.s32 @p0 $0x1  }
0x13: {  	[smem:$0x3FB6] =	sst s0;
	s0 =	simm.s32 @!p1 $0x0  }
0x14: {  	s2 =	sld [smem:$0x3F9A];
	s0 =	simm.s32 @p1 $0x1  }
0x15: {  	[smem:$0x3FB7] =	sst s0;
	s0 =	simm.s32 @!p2 $0x0  }
0x16: {  	s3 =	sld [smem:$0x3FDB];
	s0 =	simm.s32 @p2 $0x1  }
0x17: {  	s4 =	simm.s32 $0x1BF5;
	[smem:$0x3FB9] =	sst s0  }
0x18: {  	s0 =	sld [smem:$0x3F9C];
	_ =	swait.ge [sflag:s4], $0x0  }
0x19: {  	s7 =	sld [smem:$0x3F9D]  }
0x1a: {  	s8 =	sadd.s32 $0xFFFFE003, lr  }
0x1b: {  	s9 =	sadd.s32 $0xFFFFFEF7, lr;
	s5 =	simm.s32 $0xFFFFFFFF;
	p2 =	slt.u32 s8, $0xFFFFF086  }
0x1c: {  	p1 =	slt.u32 s9, $0xF7A;
	s5 =	simm.s32 @!p2 $0x0  }
0x1d: {  	s5 =	simm.s32 @p1 $0x1;
	p0 =	seq.s32 s7, s2  }
0x1e: {  	s7 =	smul.u32 @!p0 $0xF7A, s2;
	p2 =	seq.s32 @!p0 s5, $0x0  }
0x1f: {  	s9 =	smul.u32 $0xF7A, s1;
	s8 =	simm.s32 @!p0 $0x1BF5;
	p2 =	por !p2, p0  }
0x20: {  	[sflag:s8] =	ssyncset.s32 @!p0 $0xFFFFF086;
	s6 =	sadd.s32 @!p0 s3, s7;
	s7 =	simm.s32 @!p0 $0x108  }
0x21: {  	s3 =	sadd.s32 s3, s9;
	s6 =	sadd.s32 @!p0 $0x88, s6;
	s7 =	simm.s32 @p2 $0x1082  }
0x22: {  	[simem:s7], [sflag:s8] =	dma.local @!p0 [hbm:s6], $0xF7A  }
0x23: {  	s9 =	sor.u32 $0xD0000000, s2;
	s6 =	simm.s32 $0x108;
	_ =	swait.ge @!p0 [sflag:s8], $0x0  }
0x24: {  	s3 =	sadd.s32 $0x88, s3;
	s6 =	simm.s32 @!p1 $0x1082;
	[sflag:s4] =	ssyncset.s32 $0xFFFFF086  }
0x25: {  	[simem:s6], [sflag:s4] =	dma.local [hbm:s3], $0xF7A  }
0x26: {  	[smem:$0x3F9D] =	sst s1;
	(tag) =	ssettag s2;
	_ =	strace s9  }
0x27: {  	s1 =	sld [smem:$0x3FAD]  }
0x28: {  	s2 =	sld [smem:$0x3FAE]  }
0x29: {  	s4 =	sld [smem:$0x3FB0]  }
0x2a: {  	p0 =	seq.s32 s5, $0x0;
	s5 =	sld [smem:$0x3FB1]  }
0x2b: {  	s6 =	sld [smem:$0x3FB2]  }
0x2c: {  	s7 =	sld [smem:$0x3FB3]  }
0x2d: {  	s3 =	simm.s32 $0x108;
	s8 =	sld [smem:$0x3FB4]  }
0x2e: {  	s3 =	simm.s32 @!p0 $0x1082;
	s9 =	sld [smem:$0x3FB5]  }
0x2f: {  	lr =	sadd.s32 s0, s3;
	s0 =	sld [smem:$0x3FAC]  }
0x30: {  	s3 =	sld [smem:$0x3FAF]  }
0x31: {  	[smem:$0x3FB8] =	sst s10  }
0x32: {  	s10 =	sld [smem:$0x3FB6];
	_ =	sdelay $0x3  }
0x33: {  	p0 =	seq.s32 s10, $0x1;
	s10 =	sld [smem:$0x3FB8];
	_ =	sdelay $0x3  }
0x34: {  	[smem:$0x3FB8] =	sst s10  }
0x35: {  	s10 =	sld [smem:$0x3FB7];
	_ =	sdelay $0x3  }
0x36: {  	p1 =	seq.s32 s10, $0x1;
	s10 =	sld [smem:$0x3FB8];
	_ =	sdelay $0x3  }
0x37: {  	[smem:$0x3FB8] =	sst s10  }
0x38: {  	s10 =	sld [smem:$0x3FB9]  }
0x39: {  	_ = 	snop;
	(pc) =	sbr.ind lr, $3  }
0x3a: {  	_ = 	snop  }
0x3b: {  	_ = 	snop  }
0x3c: {  	p2 =	seq.s32 s10, $0x1;
	s10 =	sld [smem:$0x3FB8]  }
0x3d: {  	_ =	shalt  }
0x3e: {  	_ =	shalt  }
0x3f: {  	_ =	shalt  }
0x40: {  	_ =	shalt  }
0x41: {  	_ =	shalt  }
0x42: {  	_ =	shalt  }
0x43: {  	_ =	shalt  }
0x44: {  	_ =	shalt  }
0x45: {  	_ =	shalt  }
0x46: {  	_ =	shalt  }
0x47: {  	_ =	shalt  }
0x48: {  	_ =	shalt  }
0x49: {  	_ =	shalt  }
0x4a: {  	_ =	shalt  }
0x4b: {  	_ =	shalt  }
0x4c: {  	_ =	shalt  }
0x4d: {  	_ =	shalt  }
0x4e: {  	_ =	shalt  }
0x4f: {  	_ =	shalt  }
0x50: {  	_ =	shalt  }
0x51: {  	_ =	shalt  }
0x52: {  	_ =	shalt  }
0x53: {  	_ =	shalt  }
0x54: {  	_ =	shalt  }
0x55: {  	_ =	shalt  }
0x56: {  	_ =	shalt  }
0x57: {  	_ =	shalt  }
0x58: {  	_ =	shalt  }
0x59: {  	_ =	shalt  }
0x5a: {  	_ =	shalt  }
0x5b: {  	_ =	shalt  }
0x5c: {  	_ =	shalt  }
0x5d: {  	_ =	shalt  }
0x5e: {  	_ =	shalt  }
0x5f: {  	_ =	shalt  }
0x60: {  	_ =	shalt  }
0x61: {  	_ =	shalt  }
0x62: {  	_ =	shalt  }
0x63: {  	_ =	shalt  }
0x64: {  	_ =	shalt  }
0x65: {  	_ =	shalt  }
0x66: {  	_ =	shalt  }
0x67: {  	_ =	shalt  }
0x68: {  	_ =	shalt  }
0x69: {  	_ =	shalt  }
0x6a: {  	_ =	shalt  }
0x6b: {  	_ =	shalt  }
0x6c: {  	_ =	shalt  }
0x6d: {  	_ =	shalt  }
0x6e: {  	_ =	shalt  }
0x6f: {  	_ =	shalt  }
0x70: {  	_ =	shalt  }
0x71: {  	_ =	shalt  }
0x72: {  	_ =	shalt  }
0x73: {  	_ =	shalt  }
0x74: {  	_ =	shalt  }
0x75: {  	_ =	shalt  }
0x76: {  	_ =	shalt  }
0x77: {  	_ =	shalt  }
0x78: {  	_ =	shalt  }
0x79: {  	_ =	shalt  }
0x7a: {  	_ =	shalt  }
0x7b: {  	_ =	shalt  }
0x7c: {  	_ =	shalt  }
0x7d: {  	_ =	shalt  }
0x7e: {  	_ =	shalt  }
0x7f: {  	_ =	shalt  }
0x80: {  	_ =	shalt  }
0x81: {  	_ =	shalt  }
0x82: {  	_ =	shalt  }
0x83: {  	_ =	shalt  }
0x84: {  	_ =	shalt  }
0x85: {  	_ =	shalt  }
0x86: {  	_ =	shalt  }
0x87: {  	_ =	shalt  }
.Lfunc_end0:
.L_simem_size_0:
called_computation_lowered:
.L_overlay_start_0:
0x88: {  	s2 =	sld [smem:$0x3FD9]  }
0x89: {  	s3 =	sld [smem:$0x3FFE];
	_ =	sdelay $0x1  }
0x8a: {  	s1 =	srdreg.scid  }
0x8b: {  	s0 =	sand.u32 $0x1, s1  }
0x8c: {  	s17 =	sshll.u32 s0, $0xA;
	s2 =	sadd.s32 s3, s2  }
0x8d: {  	s2 =	sadd.s32 s2, s17  }
0x8e: {  	[smem:$0x3FC4] =	sst s2  }
0x8f: {  	_ = 	snop  }
0x90: {  	s2 =	sld [smem:$0x3FD0];
	(tm) =	ssettm $0x1  }
0x91: {  	s18 =	sld [smem:$0x3FFB];
	_ =	sdelay $0x3  }
0x92: {  	_ =	strace s18  }
0x93: {  	s3 =	sld [smem:$0x3FFC];
	_ =	sdelay $0x3  }
0x94: {  	_ =	strace s3  }
0x95: {  	s3 =	sld [smem:$0x3FFD];
	_ =	sdelay $0x3  }
0x96: {  	_ =	strace s3  }
0x97: {  	_ =	strace $0x8FFFFFFF  }
0x98: {  	s19 =	sld [smem:$0x3FDB];
	_ =	sdelay $0x1  }
0x99: {  	s4 =	simm.s32 $_scs_section_size  }
0x9a: {  	s5 =	simm.s32 $_size__tile_overlayer_lowered;
	s6 =	simm.s32 $_tile_overlayer_lowered  }
0x9b: {  	s22 =	simm.s32 $0x1BFF;
	s21 =	sshll.u32 s6, $0x1;
	s3 =	sadd.s32 s4, s19  }
0x9c: {  	s7 =	simm.s32 $0x0;
	s20 =	sshll.u32 s5, $0x1;
	s5 =	sadd.s32 s21, s3  }
0x9d: {  	[timem:s7], [sflag:s22] =	dma.local [hbm:s5], s20  }
0x9e: {  	_ =	swait.ge [sflag:s22], s20  }
0x9f: {  	s4 =	ssub.s32 $0x0, s20;
	[sflag:s22] =	ssyncset.done $0x0  }
0xa0: {  	[sflag:s22] =	ssyncadd.s32 s4;
	_ =	sdelay $0x1  }
0xa1: {  	s23 =	simm.s32 $0x1B8B  }
0xa2: {  	_ =	swait.ge [sflag:s23], $0x1  }
0xa3: {  	[sflag:s23] =	ssyncset.done $0x0  }
0xa4: {  	s25 =	simm.s32 $0x1B8E;
	s24 =	sld [smem:$0x3FFE];
	[sflag:s23] =	ssyncadd.s32 $0xFFFFFFFF  }
0xa5: {  	s26 =	simm.s32 $execute0_lowered;
	[smem:$0x3FD2] =	sst s25  }
0xa6: {  	s5 =	sshll.u32 s26, $0x1;
	_ =	strace $0x80000046;
	[dreg:$0x1] =	wrdreg $0xFFFFFFFF  }
0xa7: {  	s28 =	simm.s32 $_size_execute0_lowered;
	s3 =	sadd.s32 s3, s5;
	[dreg:$0x0] =	wrdreg $0x0  }
0xa8: {  	s5 =	sshll.u32 s28, $0x1;
	[dreg:$0x2] =	wrdreg s3  }
0xa9: {  	[dreg:$0x3] =	wrdreg s5  }
0xaa: {  	[dreg:$0x4] =	wrdreg $0xC0  }
0xab: {  	_ =	task [dreg:s7], $0x5FFFF  }
0xac: {  	[dreg:$0x1] =	wrdreg $0xFFFFFFFF  }
0xad: {  	[dreg:$0x0] =	wrdreg $0x60  }
0xae: {  	[dreg:$0x2] =	wrdreg s2  }
0xaf: {  	[dreg:$0x3] =	wrdreg s24  }
0xb0: {  	[dreg:$0x4] =	wrdreg $0x9  }
0xb1: {  	_ =	task.clear_ibuf [dreg:s7], $0x5FFFF;
	_ =	strace $0x90000046  }
0xb2: {  	s29 =	simm.s32 $0x9;
	_ =	strace $0x80000048  }
0xb3: {  	_ =	swait.ge [sflag:s29], $0x1  }
0xb4: {  	[sflag:s29] =	ssyncadd.s32 $0xFFFFFFFF  }
0xb5: {  	_ =	strace $0x90000048  }
0xb6: {  	_ =	sfence  }
0xb7: {  	s30 =	sld [smem:$0x0];
	_ =	sdelay $0x2  }
0xb8: {  	s31 =	sshll.u32 s1, $0xD;
	s1 =	sshrl.u32 s1, $0x2  }
0xb9: {  	s3 =	sand.u32 $0x4000, s31;
	s1 =	sadd.s32 s1, s30  }
0xba: {  	s0 =	sor.u32 s3, s0;
	s1 =	sshll.u32 s1, $0x11  }
0xbb: {  	s0 =	sor.u32 s1, s0  }
0xbc: {  	s0 =	sadd.s32 $0x8F2B, s0  }
0xbd: {  	[sflag:s0] =	ssyncadd.remote.s32 $0x1  }
0xbe: {  	_ =	sfence.sel $0xFFFF  }
0xbf: {  	[dreg:$0x0] =	wrdreg $0xFFFFFFFF;
	(pc) =	sbr.abs _section_cstart, $3  }
0xc0: {  	[dreg:$0x1] =	wrdreg $0xFFFFFFFF  }
0xc1: {  	_ =	task.clear_ibuf [dreg:s7], $0x2FFFF;
	_ =	strace $0x9FFFFFFF  }
0xc2: {  	(tm) =	ssettm $0x7FFFFFFF  }
0xc3: {  	_ =	shalt  }
tec
execute0_lowered:
.L_overlay_start_1:
0x0: {  	(tag) =	ssettag $0x1  }
0x1: {  	s6 =	rddreg [dreg:$0x0];
	s1 =	srdreg.scid  }
0x2: {  	s0 =	stileid.u32;
	s3 =	rddreg [dreg:$0x1]  }
0x3: {  	s2 =	simm.s32 $0x0;
	s12 =	simm.s32 $0x6200;
	s13 =	simm.s32 $0x0  }
0x4: {  	s4 =	sand.u32 $0x1, s1;
	s5 =	sshll.u32 s0, $0x1;
	s1 =	rddreg [dreg:$0x2]  }
0x5: {  	[smem:$0x7FF] =	sst s2;
	s30 =	sshrl.u32 s0, $0x1;
	s5 =	sor.u32 s4, s5  }
0x6: {  	s4 =	ssub.s32 $0x2, s4;
	_ =	strace $0x80000047;
	s11 =	sshll.u32 s30, $0x7  }
0x7: {  	s7 =	sshll.u32 s5, $0xB;
	s28 =	sshrl.u32 s4, $0x1;
	s29 =	sand.u32 $0x3, s5  }
.Ltmp0:
0x8: {  	v0 =	vmov s11;
	s11 =	simm.s32 $0x1;
	s9 =	sadd.s32 s7, s3;
	(pc) =	sbr.rel .LBB2_1-.Ltmp0, $4  }
0x9: {  	s10 =	ssub.s32 s4, s28;
	p0 =	seq.s32 s29, $0x3;
	s3 =	simm.s32 $0x6160  }
0xa: {  	s31 =	smul.u32 $0xC38, s29;
	s4 =	sshll.u32 s30, $0xE;
	s3 =	simm.s32 @!p0 $0x61C0  }
0xb: {  	s7 =	sadd.s32 $0x4000, s4;
	s9 =	sadd.s32 $0xA00, s9;
	s10 =	smax.u32 s10, $0x1  }
0xc: {  	v1 =	vimm.f32 $0.0e+00;
	v2 =	vimm.f32 $1.000000000e+00;
	s5 =	sadd.s32 s6, s31;
	s6 =	sadd.s32 $0x24A8, s6;
	s8 =	sshrl.u32 s3, $0x4  }
.LBB2_10:
0xd: {  	_ =	sdelay $0x4  }
0xe: {  	[tilespmem:v3+s12+$0x0] =	vst.idx.add.f32.msk vm0, v2  }
.LBB2_11:
0xf: {  	s13 =	sadd.s32 $0x1, s13  }
0x10: {  	p1 =	sne.s32 s13, s10  }
.Ltmp1:
0x11: {  	_ = 	snop;
	(pc) =	sbr.rel @!p1 .LBB2_12-.Ltmp1, $4  }
0x12: {  	[hbm4b:s9+s2] =	stream.linear.scatter [tilespmem:s12], [sflag:$0x1], $0x4000, $0x38;
	[tilespmem:$0xA200] =	vst v63  }
0x13: {  	_ =	swait.ge [sflag:s11], $0x4000  }
0x14: {  	[sflag:s11] =	ssyncset.done $0x0  }
0x15: {  	[sflag:s11] =	ssyncadd.s32 $0xFFFFC000  }
.LBB2_1:
0x16: {  	s14 =	simm.s32 @p0 $0x0  }
0x17: {  	[tilespmem:s14], [sflag:$0x1] =	stream.linear.gather @p0 [hbm4b:s6+s14], $0x6160, $0x38;
	[tilespmem:$0xA200] =	vst v63  }
0x18: {  	s14 =	simm.s32 @p0 $0x1  }
0x19: {  	_ =	swait.ge @p0 [sflag:s14], $0x6160  }
0x1a: {  	[sflag:s14] =	ssyncset.done @p0 $0x0  }
0x1b: {  	[sflag:s14] =	ssyncadd.s32 @p0 $0xFFFF9EA0;
	s14 =	simm.s32 @!p0 $0x0  }
0x1c: {  	[tilespmem:s14], [sflag:$0x1] =	stream.linear.gather @!p0 [hbm4b:s5+s14], $0x61C0, $0x38;
	[tilespmem:$0xA200] =	vst v63  }
0x1d: {  	s14 =	simm.s32 @!p0 $0x1  }
0x1e: {  	_ =	swait.ge @!p0 [sflag:s14], $0x61C0  }
0x1f: {  	[sflag:s14] =	ssyncset.done @!p0 $0x0  }
0x20: {  	s15 =	simm.s32 $0x0;
	[sflag:s14] =	ssyncadd.s32 @!p0 $0xFFFF9E40;
	s14 =	simm.s32 $0x200  }
.LBB2_2:
0x21: {  	p1 =	sne.s32 s14, $0xFE00;
	[tilespmem:s15+$0x6270] =	vst v1  }
0x22: {  	[tilespmem:s15+$0x6200] =	vst v1  }
0x23: {  	[tilespmem:s15+$0x6210] =	vst v1  }
.Ltmp2:
0x24: {  	[tilespmem:s15+$0x6220] =	vst v1;
	(pc) =	sbr.rel @p1 .LBB2_2-.Ltmp2, $4  }
0x25: {  	[tilespmem:s15+$0x6230] =	vst v1  }
0x26: {  	[tilespmem:s15+$0x6240] =	vst v1  }
0x27: {  	[tilespmem:s15+$0x6250] =	vst v1  }
0x28: {  	[tilespmem:s15+$0x6260] =	vst v1;
	s15 =	sshra.s32 s14, $0x2;
	s14 =	sadd.s32 $0x200, s14  }
0x29: {  	[tilespmem:s15+$0x6270] =	vst v1  }
0x2a: {  	[tilespmem:s15+$0x6200] =	vst v1  }
0x2b: {  	[tilespmem:s15+$0x6210] =	vst v1  }
0x2c: {  	[tilespmem:s15+$0x6220] =	vst v1  }
0x2d: {  	[tilespmem:s15+$0x6230] =	vst v1  }
0x2e: {  	[tilespmem:s15+$0x6240] =	vst v1  }
0x2f: {  	s14 =	simm.s32 $0x0;
	[tilespmem:s15+$0x6250] =	vst v1;
	s18 =	sadd.s32 $0x0, s3  }
0x30: {  	[tilespmem:s15+$0x6260] =	vst v1;
	s16 =	simm.s32 $0xE;
	s15 =	simm.s32 $0x0;
	s17 =	smov.u32 s3  }
.LBB2_4:
0x31: {  	s19 =	smov.u32 s17  }
0x32: {  	p1 =	sne.s32 s16, $0x1;
	s17 =	sand.u32 $0x1, s18  }
0x33: {  	p2 =	slt.s32 s18, $0x1;
	p3 =	seq.s32 s17, $0x1  }
0x34: {  	s17 =	sshrl.u32 s18, $0x1F;
	p2 =	por !p2, !p3  }
0x35: {  	s17 =	sadd.s32 s17, s18;
	s18 =	simm.s32 $0x1;
	p2 =	por !p2, !p2  }
0x36: {  	s17 =	sshra.s32 s17, $0x1;
	s18 =	simm.s32 @!p2 $0x0  }
0x37: {  	s17 =	ssub.s32 s17, s18  }
0x38: {  	v3 =	vld [tilespmem:s17+$0x0];
	_ =	sdelay $0x4  }
0x39: {  	(v2sf) =	vpush v3, $0x0;
	_ =	sdelay $0xd  }
.Ltmp3:
0x3a: {  	(pc) =	sbr.rel @p1 .LBB2_4-.Ltmp3, $4  }
0x3b: {  	s18 =	spop (v2sf)  }
0x3c: {  	p2 =	slt.s32 s18, s4;
	s18 =	sadd.s32 $0x1, s17  }
0x3d: {  	s15 =	smov.u32 @p2 s18;
	s17 =	smov.u32 @p2 s19  }
0x3e: {  	s16 =	sadd.s32 $0xFFFFFFFF, s16;
	s18 =	sadd.s32 s15, s17  }
0x3f: {  	s16 =	sand.u32 $0x1, s18  }
0x40: {  	p1 =	slt.s32 s18, $0x1;
	p2 =	seq.s32 s16, $0x1  }
0x41: {  	s30 =	sshrl.u32 s18, $0x1F;
	p1 =	por !p1, !p2  }
0x42: {  	s17 =	simm.s32 $0x1;
	s16 =	sadd.s32 s30, s18;
	p1 =	por !p1, !p1  }
0x43: {  	s16 =	sshra.s32 s16, $0x1;
	s17 =	simm.s32 @!p1 $0x0  }
0x44: {  	s16 =	ssub.s32 s16, s17  }
0x45: {  	v3 =	vld [tilespmem:s16+$0x0];
	_ =	sdelay $0x4  }
0x46: {  	(v2sf) =	vpush v3, $0x0;
	_ =	sdelay $0xe  }
0x47: {  	s31 =	spop (v2sf)  }
0x48: {  	s18 =	sadd.s32 $0x0, s3;
	s16 =	sadd.s32 $0x1, s16;
	p1 =	slt.s32 s31, s4  }
0x49: {  	s17 =	smov.u32 s3;
	s15 =	smov.u32 @p1 s16;
	s16 =	simm.s32 $0xE  }
.LBB2_6:
0x4a: {  	s19 =	smov.u32 s17  }
0x4b: {  	p1 =	sne.s32 s16, $0x1;
	s17 =	sand.u32 $0x1, s18  }
0x4c: {  	p2 =	slt.s32 s18, $0x1;
	p3 =	seq.s32 s17, $0x1  }
0x4d: {  	s17 =	sshrl.u32 s18, $0x1F;
	p2 =	por !p2, !p3  }
0x4e: {  	s17 =	sadd.s32 s17, s18;
	s18 =	simm.s32 $0x1;
	p2 =	por !p2, !p2  }
0x4f: {  	s17 =	sshra.s32 s17, $0x1;
	s18 =	simm.s32 @!p2 $0x0  }
0x50: {  	s17 =	ssub.s32 s17, s18  }
0x51: {  	v3 =	vld [tilespmem:s17+$0x0];
	_ =	sdelay $0x4  }
0x52: {  	(v2sf) =	vpush v3, $0x0;
	_ =	sdelay $0xd  }
.Ltmp4:
0x53: {  	(pc) =	sbr.rel @p1 .LBB2_6-.Ltmp4, $4  }
0x54: {  	s18 =	spop (v2sf)  }
0x55: {  	p2 =	slt.s32 s18, s7;
	s18 =	sadd.s32 $0x1, s17  }
0x56: {  	s14 =	smov.u32 @p2 s18;
	s17 =	smov.u32 @p2 s19  }
0x57: {  	s16 =	sadd.s32 $0xFFFFFFFF, s16;
	s18 =	sadd.s32 s14, s17  }
0x58: {  	s16 =	sand.u32 $0x1, s18  }
0x59: {  	p1 =	slt.s32 s18, $0x1;
	p2 =	seq.s32 s16, $0x1  }
0x5a: {  	s24 =	sshrl.u32 s18, $0x1F;
	p1 =	por !p1, !p2  }
0x5b: {  	s17 =	simm.s32 $0x1;
	s16 =	sadd.s32 s24, s18;
	p1 =	por !p1, !p1  }
0x5c: {  	s16 =	sshra.s32 s16, $0x1;
	s17 =	simm.s32 @!p1 $0x0  }
0x5d: {  	s16 =	ssub.s32 s16, s17  }
0x5e: {  	v3 =	vld [tilespmem:s16+$0x0];
	_ =	sdelay $0x4  }
0x5f: {  	(v2sf) =	vpush v3, $0x0;
	_ =	sdelay $0xe  }
0x60: {  	s25 =	spop (v2sf)  }
0x61: {  	s16 =	sadd.s32 $0x1, s16;
	p1 =	slt.s32 s25, s7  }
0x62: {  	s14 =	smov.u32 @p1 s16;
	p1 =	slt.s32 s15, s3;
	s16 =	smov.u32 s3  }
0x63: {  	p4 =	slt.s32 s15, $0x1;
	s17 =	smov.u32 s3;
	s16 =	smov.u32 @p1 s15  }
0x64: {  	p1 =	slt.s32 s14, s3;
	p6 =	slt.s32 s14, $0x1;
	s26 =	sand.u32 $0xF, s16  }
0x65: {  	s17 =	smov.u32 @p1 s14;
	s28 =	sshra.s32 s16, $0x1F;
	p5 =	sne.s32 s26, $0x0  }
0x66: {  	s29 =	sand.u32 $0xF, s17;
	s30 =	sshrl.u32 s28, $0x1C;
	s31 =	sshra.s32 s17, $0x1F  }
0x67: {  	p1 =	por !p4, !p5;
	p3 =	sne.s32 s29, $0x0;
	s14 =	sadd.s32 s30, s16  }
0x68: {  	s15 =	sshrl.u32 s31, $0x1C;
	s16 =	simm.s32 $0x1;
	p2 =	por !p6, !p3  }
0x69: {  	p1 =	por !p1, !p1;
	s15 =	sadd.s32 s15, s17;
	p2 =	por !p2, !p2  }
0x6a: {  	s17 =	simm.s32 $0x1;
	s15 =	sshra.s32 s15, $0x4;
	s16 =	simm.s32 @!p2 $0x0  }
0x6b: {  	s14 =	sshra.s32 s14, $0x4;
	s17 =	simm.s32 @!p1 $0x0;
	s15 =	ssub.s32 s15, s16  }
0x6c: {  	s16 =	ssub.s32 s14, s17;
	s15 =	sadd.s32 $0x1, s15  }
0x6d: {  	s14 =	smov.u32 s8;
	p1 =	sgt.s32 s16, $0x1;
	p2 =	slt.s32 s15, s8  }
0x6e: {  	s16 =	simm.s32 @!p1 $0x1;
	s14 =	smov.u32 @p2 s15  }
0x6f: {  	p1 =	sgt.s32 s16, s14  }
.Ltmp5:
0x70: {  	_ = 	snop;
	(pc) =	sbr.rel @p1 .LBB2_11-.Ltmp5, $1  }
0x71: {  	_ =	sdelay $0x3  }
0x72: {  	s15 =	sshll.u32 s16, $0x6  }
0x73: {  	s15 =	sshra.s32 s15, $0x2  }
0x74: {  	s15 =	sadd.s32 $0xFFFFFFF0, s15  }
0x75: {  	v3 =	vld [tilespmem:s15+$0x0];
	_ =	sdelay $0x4  }
0x76: {  	s31 =	sadd.s32 $0xFFFFFFFF, s16;
	v4 =	vshra.s32 v3, $0x7  }
0x77: {  	s16 =	sadd.s32 $0x1, s31;
	v4 =	vsub.s32 v4, v0  }
0x78: {  	p1 =	slt.s32 s16, s14;
	v3 =	vand.u32 $0x7F, v3;
	v5 =	vshll.u32 v4, $0x7;
	vm0 =	vlt.u32 v4, $0x80  }
.Ltmp6:
0x79: {  	v3 =	vor.u32 v3, v5;
	(pc) =	sbr.rel @!p1 .LBB2_10-.Ltmp6, $1  }
0x7a: {  	_ =	sdelay $0x3  }
.LBB2_9:
0x7b: {  	s16 =	sadd.s32 $0x1, s16;
	[tilespmem:v3+s12+$0x0] =	vst.idx.add.f32.msk vm0, v2;
	s15 =	sadd.s32 $0x10, s15  }
0x7c: {  	v3 =	vld [tilespmem:s15+$0x0];
	p1 =	slt.s32 s16, s14;
	_ =	sdelay $0x3  }
.Ltmp7:
0x7d: {  	(pc) =	sbr.rel @p1 .LBB2_9-.Ltmp7, $4  }
0x7e: {  	v4 =	vshra.s32 v3, $0x7  }
0x7f: {  	v4 =	vsub.s32 v4, v0  }
0x80: {  	v3 =	vand.u32 $0x7F, v3;
	vm0 =	vlt.u32 v4, $0x80;
	v4 =	vshll.u32 v4, $0x7  }
0x81: {  	v3 =	vor.u32 v3, v4  }
.Ltmp8:
0x82: {  	_ = 	snop;
	(pc) =	sbr.rel .LBB2_10-.Ltmp8, $1  }
0x83: {  	_ =	sdelay $0x3  }
.LBB2_12:
0x84: {  	_ =	sfence.sel $0x180000  }
0x85: {  	[bflag:$0x0] =	sbarrier.arrive $0xFFFF  }
0x86: {  	p0 =	sne.s32 s0, $0x0;
	_ =	strace $0x90000047  }
0x87: {  	s0 =	sadd.s32 @!p0 $0x100000, s1;
	[bflag:$0x2] =	sbarrier.arrive $0xFFFF  }
0x88: {  	[sflag:s0] =	ssyncadd.tile.s32 @!p0 $0x1;
	_ =	shalt  }
.Lfunc_end2:
_tile_overlayer_lowered:
.L_overlay_start_2:
0x89: {  	(tag) =	ssettag $0x2  }
0x8a: {  	s0 =	rddreg [dreg:$0x0];
	s2 =	stileid.u32  }
0x8b: {  	s1 =	rddreg [dreg:$0x1];
	p0 =	sne.s32 s2, $0x0  }
0x8c: {  	s3 =	rddreg [dreg:$0x2];
	[bflag:$0x3] =	sbarrier.arrive $0xFFFF;
	s2 =	simm.s32 @!p0 $0x1C01  }
0x8d: {  	[timem:s3], [sflag:s2] =	dma.local @!p0 [hbm:s0], s1  }
0x8e: {  	s0 =	simm.s32 @!p0 $0x1  }
0x8f: {  	_ =	swait.ge @!p0 [sflag:s0], s1  }
0x90: {  	s1 =	ssub.s32 @!p0 $0x0, s1;
	[sflag:s0] =	ssyncset.done @!p0 $0x0  }
0x91: {  	[sflag:s0] =	ssyncadd.s32 @!p0 s1  }
0x92: {  	[bflag:$0x3] =	sbarrier.arrive $0xFFFF  }
0x93: {  	_ =	shalt  }

</sc_bundles>
